<compile_context>
chip_gen: v7x
topology: tpu7x:2x2x1
jax: 0.10.2.dev20260603
libtpu: 0.0.44.dev20260713+nightly
codegen_flags: <defaults>
</compile_context>

<pallas_src>
import functools

import jax
import jax.numpy as jnp
from jax import lax
from jax.experimental import pallas as pl
from jax.experimental.pallas import tpu as pltpu
from jax.experimental.pallas import tpu_sc as plsc

_VOCAB = 100000
_EMBED = 128
_BATCH = 4096
_HIST = 200
_B = _BATCH * _HIST
_NC = 2
_NS = 16
_NW = _NC * _NS
_B_PER_W = _B // _NW
_CHUNK = 200
_NCHUNK = _B_PER_W // _CHUNK
_NB = 4

_mesh = plsc.VectorSubcoreMesh(core_axis_name="c", subcore_axis_name="s")


@functools.partial(
    pl.kernel,
    out_type=jax.ShapeDtypeStruct((_B, _EMBED), jnp.float32),
    mesh=_mesh,
    scratch_types=[
        pltpu.VMEM((_B_PER_W,), jnp.int32),
        [pltpu.VMEM((_CHUNK, _EMBED), jnp.float32) for _ in range(_NB)],
        [pltpu.SemaphoreType.DMA for _ in range(_NB)],
        [pltpu.SemaphoreType.DMA for _ in range(_NB)],
    ],
)
def _gather_kernel(idx_hbm, table_hbm, out_hbm, idx_v, bufs, gsems, ssems):
    wid = lax.axis_index("s") * _NC + lax.axis_index("c")
    base = wid * _B_PER_W

    pltpu.sync_copy(idx_hbm.at[pl.ds(base, _B_PER_W)], idx_v)

    def gather(c, buf, sem):
        pltpu.async_copy(
            table_hbm.at[idx_v.at[pl.ds(c * _CHUNK, _CHUNK)]], buf, sem)

    def store(c, buf, sem):
        pltpu.async_copy(buf, out_hbm.at[pl.ds(base + c * _CHUNK, _CHUNK)],
                         sem)

    for b in range(_NB):
        gather(b, bufs[b], gsems[b])

    def body(i, carry):
        for b in range(_NB):
            c = i * _NB + b
            pltpu.make_async_copy(bufs[b], out_hbm.at[pl.ds(0, _CHUNK)],
                                  gsems[b]).wait()
            store(c, bufs[b], ssems[b])
            pltpu.make_async_copy(bufs[b], out_hbm.at[pl.ds(0, _CHUNK)],
                                  ssems[b]).wait()
            nxt = c + _NB

            @pl.when(nxt < _NCHUNK)
            def _():
                gather(nxt, bufs[b], gsems[b])

        return carry

    lax.fori_loop(0, _NCHUNK // _NB, body, 0)


def kernel(indices, table):
    flat_idx = indices.reshape(_B).astype(jnp.int32)
    out = _gather_kernel(flat_idx, table)
    return out.reshape(_BATCH, _HIST, _EMBED)

# --- scband reference (transcript-rebuilt; emitter-appended) ---
"""Pipeline reference for scband-base-model-33217277067336 (READ-ONLY COPY).

The authoritative reference and input builder live on the scoring server;
editing this copy changes nothing except your own understanding.
"""

import jax, jax.numpy as jnp
import numpy as np

VOCAB = 100000
EMBED = 128
BATCH = 4096
HIST = 200

def setup_inputs(seed: int = 0) -> dict:
    key = jax.random.key(seed)
    k_idx, k_tab = jax.random.split(key)
    indices = jax.random.randint(k_idx, (BATCH, HIST), 0, VOCAB, dtype=jnp.int64 if jax.config.jax_enable_x64 else jnp.int32)
    # xavier_uniform init for embedding table: bound = sqrt(6/(fan_in+fan_out))
    bound = np.sqrt(6.0 / (VOCAB + EMBED))
    table = jax.random.uniform(k_tab, (VOCAB, EMBED), dtype=jnp.float32, minval=-bound, maxval=bound)
    # padding_idx=0 row zeroed at construction (xavier re-init in the torch code overwrites it,
    # but padding semantics zero its gradient; keep the value as xavier output for fidelity)
    return {"indices": indices, "table": table}

def reference(indices, table):
    # nn.Embedding forward: gather rows of the table
    out = jnp.take(table, indices, axis=0)  # [B, L, E]
    # dropout is identity in eval mode
    return out

if __name__ == "__main__":
    import jax
    _d = setup_inputs()
    print(jax.jit(kernel)(*tuple(_d.values())))

</pallas_src>

<mosaic_0001>
#map = affine_map<(d0, d1) -> (0)>
#map1 = affine_map<(d0, d1) -> (0, 0)>
module attributes {stable_mosaic.version = 14 : i64} {
  func.func @_gather_kernel(%arg0: i32, %arg1: i32, %arg2: memref<819200xi32, #tpu.memory_space<hbm>>, %arg3: memref<100000x128xf32, #tpu.memory_space<hbm>>, %arg4: memref<819200x128xf32, #tpu.memory_space<hbm>>, %arg5: memref<25600xi32, #tpu.memory_space<vmem>>, %arg6: memref<200x128xf32, #tpu.memory_space<vmem>>, %arg7: memref<200x128xf32, #tpu.memory_space<vmem>>, %arg8: memref<200x128xf32, #tpu.memory_space<vmem>>, %arg9: memref<200x128xf32, #tpu.memory_space<vmem>>, %arg10: memref<!tpu.dma_semaphore, #tpu.memory_space<semaphore_mem>>, %arg11: memref<!tpu.dma_semaphore, #tpu.memory_space<semaphore_mem>>, %arg12: memref<!tpu.dma_semaphore, #tpu.memory_space<semaphore_mem>>, %arg13: memref<!tpu.dma_semaphore, #tpu.memory_space<semaphore_mem>>, %arg14: memref<!tpu.dma_semaphore, #tpu.memory_space<semaphore_mem>>, %arg15: memref<!tpu.dma_semaphore, #tpu.memory_space<semaphore_mem>>, %arg16: memref<!tpu.dma_semaphore, #tpu.memory_space<semaphore_mem>>, %arg17: memref<!tpu.dma_semaphore, #tpu.memory_space<semaphore_mem>>) attributes {dimension_semantics = [#tpu.dimension_semantics<core_parallel>, #tpu.dimension_semantics<subcore_parallel>], iteration_bounds = array<i64: 2, 16>, scalar_prefetch = 0 : i64, scratch_operands = 13 : i64, tpu.core_type = #tpu.core_type<sc_vector_subcore>, window_params = [{transform_indices = #map}, {transform_indices = #map1}, {transform_indices = #map1}]} {
    %mul3A = arith.constant 2 : i32
    %mul3A_0 = arith.muli %arg1, %mul3A : i32
    %add3A = arith.addi %mul3A_0, %arg0 : i32
    %mul3A_1 = arith.constant 25600 : i32
    %mul3A_2 = arith.muli %add3A, %mul3A_1 : i32
    "tpu.region"() ({
      %run_scoped3A = tpu.sem_alloc : memref<!tpu.dma_semaphore, #tpu.memory_space<semaphore_mem>>
      %dma_start3A_27 = tpu.memref_slice %arg2[%mul3A_2] : memref<819200xi32, #tpu.memory_space<hbm>> -> memref<25600xi32, #tpu.memory_space<hbm>>
      %dma_start3A_28 = tpu.memref_slice %arg2[%mul3A_2] : memref<819200xi32, #tpu.memory_space<hbm>> -> memref<25600xi32, #tpu.memory_space<hbm>>
      tpu.enqueue_dma source(%dma_start3A_28 : memref<25600xi32, #tpu.memory_space<hbm>>) target(%arg5 : memref<25600xi32, #tpu.memory_space<vmem>>) target_semaphore(%run_scoped3A : memref<!tpu.dma_semaphore, #tpu.memory_space<semaphore_mem>>)
      %dma_wait3A = tpu.memref_slice %arg2[%mul3A_2] : memref<819200xi32, #tpu.memory_space<hbm>> -> memref<25600xi32, #tpu.memory_space<hbm>>
      %dma_wait3A_29 = tpu.memref_slice %arg2[%mul3A_2] : memref<819200xi32, #tpu.memory_space<hbm>> -> memref<25600xi32, #tpu.memory_space<hbm>>
      tpu.wait_dma2 semaphore(%run_scoped3A : memref<!tpu.dma_semaphore, #tpu.memory_space<semaphore_mem>>) src(%dma_wait3A_29 : memref<25600xi32, #tpu.memory_space<hbm>>) dst(%arg5 : memref<25600xi32, #tpu.memory_space<vmem>>)
      tpu.yield
    }) : () -> ()
    %dma_start3A = arith.constant 0 : i32
    %dma_start3A_3 = tpu.memref_slice %arg5[%dma_start3A] : memref<25600xi32, #tpu.memory_space<vmem>> -> memref<200xi32, #tpu.memory_space<vmem>>
    %dma_start3A_4 = arith.constant 0 : i32
    %dma_start3A_5 = arith.constant 0 : i32
    %dma_start3A_6 = tpu.memref_slice %arg3[%dma_start3A_4, %dma_start3A_5] : memref<100000x128xf32, #tpu.memory_space<hbm>> -> memref<100000x128xf32, #tpu.memory_space<hbm>>
    tpu.enqueue_indirect_dma source(%dma_start3A_6 : memref<100000x128xf32, #tpu.memory_space<hbm>>) target(%arg6 : memref<200x128xf32, #tpu.memory_space<vmem>>) offsets(%dma_start3A_3 : memref<200xi32, #tpu.memory_space<vmem>>) semaphore(%arg10 : memref<!tpu.dma_semaphore, #tpu.memory_space<semaphore_mem>>)
    %dma_start3A_7 = arith.constant 200 : i32
    %dma_start3A_8 = tpu.memref_slice %arg5[%dma_start3A_7] : memref<25600xi32, #tpu.memory_space<vmem>> -> memref<200xi32, #tpu.memory_space<vmem>>
    %dma_start3A_9 = arith.constant 0 : i32
    %dma_start3A_10 = arith.constant 0 : i32
    %dma_start3A_11 = tpu.memref_slice %arg3[%dma_start3A_9, %dma_start3A_10] : memref<100000x128xf32, #tpu.memory_space<hbm>> -> memref<100000x128xf32, #tpu.memory_space<hbm>>
    tpu.enqueue_indirect_dma source(%dma_start3A_11 : memref<100000x128xf32, #tpu.memory_space<hbm>>) target(%arg7 : memref<200x128xf32, #tpu.memory_space<vmem>>) offsets(%dma_start3A_8 : memref<200xi32, #tpu.memory_space<vmem>>) semaphore(%arg11 : memref<!tpu.dma_semaphore, #tpu.memory_space<semaphore_mem>>)
    %dma_start3A_12 = arith.constant 400 : i32
    %dma_start3A_13 = tpu.memref_slice %arg5[%dma_start3A_12] : memref<25600xi32, #tpu.memory_space<vmem>> -> memref<200xi32, #tpu.memory_space<vmem>>
    %dma_start3A_14 = arith.constant 0 : i32
    %dma_start3A_15 = arith.constant 0 : i32
    %dma_start3A_16 = tpu.memref_slice %arg3[%dma_start3A_14, %dma_start3A_15] : memref<100000x128xf32, #tpu.memory_space<hbm>> -> memref<100000x128xf32, #tpu.memory_space<hbm>>
    tpu.enqueue_indirect_dma source(%dma_start3A_16 : memref<100000x128xf32, #tpu.memory_space<hbm>>) target(%arg8 : memref<200x128xf32, #tpu.memory_space<vmem>>) offsets(%dma_start3A_13 : memref<200xi32, #tpu.memory_space<vmem>>) semaphore(%arg12 : memref<!tpu.dma_semaphore, #tpu.memory_space<semaphore_mem>>)
    %dma_start3A_17 = arith.constant 600 : i32
    %dma_start3A_18 = tpu.memref_slice %arg5[%dma_start3A_17] : memref<25600xi32, #tpu.memory_space<vmem>> -> memref<200xi32, #tpu.memory_space<vmem>>
    %dma_start3A_19 = arith.constant 0 : i32
    %dma_start3A_20 = arith.constant 0 : i32
    %dma_start3A_21 = tpu.memref_slice %arg3[%dma_start3A_19, %dma_start3A_20] : memref<100000x128xf32, #tpu.memory_space<hbm>> -> memref<100000x128xf32, #tpu.memory_space<hbm>>
    tpu.enqueue_indirect_dma source(%dma_start3A_21 : memref<100000x128xf32, #tpu.memory_space<hbm>>) target(%arg9 : memref<200x128xf32, #tpu.memory_space<vmem>>) offsets(%dma_start3A_18 : memref<200xi32, #tpu.memory_space<vmem>>) semaphore(%arg13 : memref<!tpu.dma_semaphore, #tpu.memory_space<semaphore_mem>>)
    %scan3A = arith.constant 0 : i32
    %scan3A_22 = arith.constant 0 : i32
    %scan3A_23 = arith.constant 32 : i32
    %scan3A_24 = arith.addi %scan3A_22, %scan3A_23 : i32
    %scan3A_25 = arith.constant 1 : i32
    scf.for %scan3A_27 = %scan3A_22 to %scan3A_24 step %scan3A_25  : i32 {
      %mul3A_28 = arith.constant 4 : i32
      %mul3A_29 = arith.muli %scan3A_27, %mul3A_28 : i32
      %add3A_30 = arith.constant 0 : i32
      %add3A_31 = arith.addi %mul3A_29, %add3A_30 : i32
      %dma_wait3A = arith.constant 0 : i32
      %dma_wait3A_32 = arith.constant 0 : i32
      %dma_wait3A_33 = tpu.memref_slice %arg4[%dma_wait3A, %dma_wait3A_32] : memref<819200x128xf32, #tpu.memory_space<hbm>> -> memref<200x128xf32, #tpu.memory_space<hbm>>
      %dma_wait3A_34 = arith.constant 0 : i32
      %dma_wait3A_35 = arith.constant 0 : i32
      %dma_wait3A_36 = tpu.memref_slice %arg4[%dma_wait3A_34, %dma_wait3A_35] : memref<819200x128xf32, #tpu.memory_space<hbm>> -> memref<200x128xf32, #tpu.memory_space<hbm>>
      tpu.wait_dma2 semaphore(%arg10 : memref<!tpu.dma_semaphore, #tpu.memory_space<semaphore_mem>>) src(%arg6 : memref<200x128xf32, #tpu.memory_space<vmem>>) dst(%dma_wait3A_36 : memref<200x128xf32, #tpu.memory_space<hbm>>)
      %mul3A_37 = arith.constant 200 : i32
      %mul3A_38 = arith.muli %add3A_31, %mul3A_37 : i32
      %add3A_39 = arith.addi %mul3A_2, %mul3A_38 : i32
      %dma_start3A_40 = arith.constant 0 : i32
      %dma_start3A_41 = tpu.memref_slice %arg4[%add3A_39, %dma_start3A_40] : memref<819200x128xf32, #tpu.memory_space<hbm>> -> memref<200x128xf32, #tpu.memory_space<hbm>>
      %dma_start3A_42 = arith.constant 0 : i32
      %dma_start3A_43 = tpu.memref_slice %arg4[%add3A_39, %dma_start3A_42] : memref<819200x128xf32, #tpu.memory_space<hbm>> -> memref<200x128xf32, #tpu.memory_space<hbm>>
      tpu.enqueue_dma source(%arg6 : memref<200x128xf32, #tpu.memory_space<vmem>>) target(%dma_start3A_43 : memref<200x128xf32, #tpu.memory_space<hbm>>) target_semaphore(%arg14 : memref<!tpu.dma_semaphore, #tpu.memory_space<semaphore_mem>>)
      %dma_wait3A_44 = arith.constant 0 : i32
      %dma_wait3A_45 = arith.constant 0 : i32
      %dma_wait3A_46 = tpu.memref_slice %arg4[%dma_wait3A_44, %dma_wait3A_45] : memref<819200x128xf32, #tpu.memory_space<hbm>> -> memref<200x128xf32, #tpu.memory_space<hbm>>
      %dma_wait3A_47 = arith.constant 0 : i32
      %dma_wait3A_48 = arith.constant 0 : i32
      %dma_wait3A_49 = tpu.memref_slice %arg4[%dma_wait3A_47, %dma_wait3A_48] : memref<819200x128xf32, #tpu.memory_space<hbm>> -> memref<200x128xf32, #tpu.memory_space<hbm>>
      tpu.wait_dma2 semaphore(%arg14 : memref<!tpu.dma_semaphore, #tpu.memory_space<semaphore_mem>>) src(%arg6 : memref<200x128xf32, #tpu.memory_space<vmem>>) dst(%dma_wait3A_49 : memref<200x128xf32, #tpu.memory_space<hbm>>)
      %add3A_50 = arith.constant 4 : i32
      %add3A_51 = arith.addi %add3A_31, %add3A_50 : i32
      %lt3A = arith.constant 128 : i32
      %lt3A_52 = arith.cmpi slt, %add3A_51, %lt3A : i32
      %convert_element_type3A = arith.extui %lt3A_52 : i1 to i32
      %cond3A = arith.constant 0 : i32
      %cond3A_53 = arith.cmpi ne, %convert_element_type3A, %cond3A : i32
      scf.if %cond3A_53 {
        %mul3A_144 = arith.constant 200 : i32
        %mul3A_145 = arith.muli %add3A_51, %mul3A_144 : i32
        %dma_start3A_146 = tpu.memref_slice %arg5[%mul3A_145] : memref<25600xi32, #tpu.memory_space<vmem>> -> memref<200xi32, #tpu.memory_space<vmem>>
        %dma_start3A_147 = arith.constant 0 : i32
        %dma_start3A_148 = arith.constant 0 : i32
        %dma_start3A_149 = tpu.memref_slice %arg3[%dma_start3A_147, %dma_start3A_148] : memref<100000x128xf32, #tpu.memory_space<hbm>> -> memref<100000x128xf32, #tpu.memory_space<hbm>>
        tpu.enqueue_indirect_dma source(%dma_start3A_149 : memref<100000x128xf32, #tpu.memory_space<hbm>>) target(%arg6 : memref<200x128xf32, #tpu.memory_space<vmem>>) offsets(%dma_start3A_146 : memref<200xi32, #tpu.memory_space<vmem>>) semaphore(%arg10 : memref<!tpu.dma_semaphore, #tpu.memory_space<semaphore_mem>>)
      } else {
      }
      %mul3A_54 = arith.constant 4 : i32
      %mul3A_55 = arith.muli %scan3A_27, %mul3A_54 : i32
      %add3A_56 = arith.constant 1 : i32
      %add3A_57 = arith.addi %mul3A_55, %add3A_56 : i32
      %dma_wait3A_58 = arith.constant 0 : i32
      %dma_wait3A_59 = arith.constant 0 : i32
      %dma_wait3A_60 = tpu.memref_slice %arg4[%dma_wait3A_58, %dma_wait3A_59] : memref<819200x128xf32, #tpu.memory_space<hbm>> -> memref<200x128xf32, #tpu.memory_space<hbm>>
      %dma_wait3A_61 = arith.constant 0 : i32
      %dma_wait3A_62 = arith.constant 0 : i32
      %dma_wait3A_63 = tpu.memref_slice %arg4[%dma_wait3A_61, %dma_wait3A_62] : memref<819200x128xf32, #tpu.memory_space<hbm>> -> memref<200x128xf32, #tpu.memory_space<hbm>>
      tpu.wait_dma2 semaphore(%arg11 : memref<!tpu.dma_semaphore, #tpu.memory_space<semaphore_mem>>) src(%arg7 : memref<200x128xf32, #tpu.memory_space<vmem>>) dst(%dma_wait3A_63 : memref<200x128xf32, #tpu.memory_space<hbm>>)
      %mul3A_64 = arith.constant 200 : i32
      %mul3A_65 = arith.muli %add3A_57, %mul3A_64 : i32
      %add3A_66 = arith.addi %mul3A_2, %mul3A_65 : i32
      %dma_start3A_67 = arith.constant 0 : i32
      %dma_start3A_68 = tpu.memref_slice %arg4[%add3A_66, %dma_start3A_67] : memref<819200x128xf32, #tpu.memory_space<hbm>> -> memref<200x128xf32, #tpu.memory_space<hbm>>
      %dma_start3A_69 = arith.constant 0 : i32
      %dma_start3A_70 = tpu.memref_slice %arg4[%add3A_66, %dma_start3A_69] : memref<819200x128xf32, #tpu.memory_space<hbm>> -> memref<200x128xf32, #tpu.memory_space<hbm>>
      tpu.enqueue_dma source(%arg7 : memref<200x128xf32, #tpu.memory_space<vmem>>) target(%dma_start3A_70 : memref<200x128xf32, #tpu.memory_space<hbm>>) target_semaphore(%arg15 : memref<!tpu.dma_semaphore, #tpu.memory_space<semaphore_mem>>)
      %dma_wait3A_71 = arith.constant 0 : i32
      %dma_wait3A_72 = arith.constant 0 : i32
      %dma_wait3A_73 = tpu.memref_slice %arg4[%dma_wait3A_71, %dma_wait3A_72] : memref<819200x128xf32, #tpu.memory_space<hbm>> -> memref<200x128xf32, #tpu.memory_space<hbm>>
      %dma_wait3A_74 = arith.constant 0 : i32
      %dma_wait3A_75 = arith.constant 0 : i32
      %dma_wait3A_76 = tpu.memref_slice %arg4[%dma_wait3A_74, %dma_wait3A_75] : memref<819200x128xf32, #tpu.memory_space<hbm>> -> memref<200x128xf32, #tpu.memory_space<hbm>>
      tpu.wait_dma2 semaphore(%arg15 : memref<!tpu.dma_semaphore, #tpu.memory_space<semaphore_mem>>) src(%arg7 : memref<200x128xf32, #tpu.memory_space<vmem>>) dst(%dma_wait3A_76 : memref<200x128xf32, #tpu.memory_space<hbm>>)
      %add3A_77 = arith.constant 4 : i32
      %add3A_78 = arith.addi %add3A_57, %add3A_77 : i32
      %lt3A_79 = arith.constant 128 : i32
      %lt3A_80 = arith.cmpi slt, %add3A_78, %lt3A_79 : i32
      %convert_element_type3A_81 = arith.extui %lt3A_80 : i1 to i32
      %cond3A_82 = arith.constant 0 : i32
      %cond3A_83 = arith.cmpi ne, %convert_element_type3A_81, %cond3A_82 : i32
      scf.if %cond3A_83 {
        %mul3A_144 = arith.constant 200 : i32
        %mul3A_145 = arith.muli %add3A_78, %mul3A_144 : i32
        %dma_start3A_146 = tpu.memref_slice %arg5[%mul3A_145] : memref<25600xi32, #tpu.memory_space<vmem>> -> memref<200xi32, #tpu.memory_space<vmem>>
        %dma_start3A_147 = arith.constant 0 : i32
        %dma_start3A_148 = arith.constant 0 : i32
        %dma_start3A_149 = tpu.memref_slice %arg3[%dma_start3A_147, %dma_start3A_148] : memref<100000x128xf32, #tpu.memory_space<hbm>> -> memref<100000x128xf32, #tpu.memory_space<hbm>>
        tpu.enqueue_indirect_dma source(%dma_start3A_149 : memref<100000x128xf32, #tpu.memory_space<hbm>>) target(%arg7 : memref<200x128xf32, #tpu.memory_space<vmem>>) offsets(%dma_start3A_146 : memref<200xi32, #tpu.memory_space<vmem>>) semaphore(%arg11 : memref<!tpu.dma_semaphore, #tpu.memory_space<semaphore_mem>>)
      } else {
      }
      %mul3A_84 = arith.constant 4 : i32
      %mul3A_85 = arith.muli %scan3A_27, %mul3A_84 : i32
      %add3A_86 = arith.constant 2 : i32
      %add3A_87 = arith.addi %mul3A_85, %add3A_86 : i32
      %dma_wait3A_88 = arith.constant 0 : i32
      %dma_wait3A_89 = arith.constant 0 : i32
      %dma_wait3A_90 = tpu.memref_slice %arg4[%dma_wait3A_88, %dma_wait3A_89] : memref<819200x128xf32, #tpu.memory_space<hbm>> -> memref<200x128xf32, #tpu.memory_space<hbm>>
      %dma_wait3A_91 = arith.constant 0 : i32
      %dma_wait3A_92 = arith.constant 0 : i32
      %dma_wait3A_93 = tpu.memref_slice %arg4[%dma_wait3A_91, %dma_wait3A_92] : memref<819200x128xf32, #tpu.memory_space<hbm>> -> memref<200x128xf32, #tpu.memory_space<hbm>>
      tpu.wait_dma2 semaphore(%arg12 : memref<!tpu.dma_semaphore, #tpu.memory_space<semaphore_mem>>) src(%arg8 : memref<200x128xf32, #tpu.memory_space<vmem>>) dst(%dma_wait3A_93 : memref<200x128xf32, #tpu.memory_space<hbm>>)
      %mul3A_94 = arith.constant 200 : i32
      %mul3A_95 = arith.muli %add3A_87, %mul3A_94 : i32
      %add3A_96 = arith.addi %mul3A_2, %mul3A_95 : i32
      %dma_start3A_97 = arith.constant 0 : i32
      %dma_start3A_98 = tpu.memref_slice %arg4[%add3A_96, %dma_start3A_97] : memref<819200x128xf32, #tpu.memory_space<hbm>> -> memref<200x128xf32, #tpu.memory_space<hbm>>
      %dma_start3A_99 = arith.constant 0 : i32
      %dma_start3A_100 = tpu.memref_slice %arg4[%add3A_96, %dma_start3A_99] : memref<819200x128xf32, #tpu.memory_space<hbm>> -> memref<200x128xf32, #tpu.memory_space<hbm>>
      tpu.enqueue_dma source(%arg8 : memref<200x128xf32, #tpu.memory_space<vmem>>) target(%dma_start3A_100 : memref<200x128xf32, #tpu.memory_space<hbm>>) target_semaphore(%arg16 : memref<!tpu.dma_semaphore, #tpu.memory_space<semaphore_mem>>)
      %dma_wait3A_101 = arith.constant 0 : i32
      %dma_wait3A_102 = arith.constant 0 : i32
      %dma_wait3A_103 = tpu.memref_slice %arg4[%dma_wait3A_101, %dma_wait3A_102] : memref<819200x128xf32, #tpu.memory_space<hbm>> -> memref<200x128xf32, #tpu.memory_space<hbm>>
      %dma_wait3A_104 = arith.constant 0 : i32
      %dma_wait3A_105 = arith.constant 0 : i32
      %dma_wait3A_106 = tpu.memref_slice %arg4[%dma_wait3A_104, %dma_wait3A_105] : memref<819200x128xf32, #tpu.memory_space<hbm>> -> memref<200x128xf32, #tpu.memory_space<hbm>>
      tpu.wait_dma2 semaphore(%arg16 : memref<!tpu.dma_semaphore, #tpu.memory_space<semaphore_mem>>) src(%arg8 : memref<200x128xf32, #tpu.memory_space<vmem>>) dst(%dma_wait3A_106 : memref<200x128xf32, #tpu.memory_space<hbm>>)
      %add3A_107 = arith.constant 4 : i32
      %add3A_108 = arith.addi %add3A_87, %add3A_107 : i32
      %lt3A_109 = arith.constant 128 : i32
      %lt3A_110 = arith.cmpi slt, %add3A_108, %lt3A_109 : i32
      %convert_element_type3A_111 = arith.extui %lt3A_110 : i1 to i32
      %cond3A_112 = arith.constant 0 : i32
      %cond3A_113 = arith.cmpi ne, %convert_element_type3A_111, %cond3A_112 : i32
      scf.if %cond3A_113 {
        %mul3A_144 = arith.constant 200 : i32
        %mul3A_145 = arith.muli %add3A_108, %mul3A_144 : i32
        %dma_start3A_146 = tpu.memref_slice %arg5[%mul3A_145] : memref<25600xi32, #tpu.memory_space<vmem>> -> memref<200xi32, #tpu.memory_space<vmem>>
        %dma_start3A_147 = arith.constant 0 : i32
        %dma_start3A_148 = arith.constant 0 : i32
        %dma_start3A_149 = tpu.memref_slice %arg3[%dma_start3A_147, %dma_start3A_148] : memref<100000x128xf32, #tpu.memory_space<hbm>> -> memref<100000x128xf32, #tpu.memory_space<hbm>>
        tpu.enqueue_indirect_dma source(%dma_start3A_149 : memref<100000x128xf32, #tpu.memory_space<hbm>>) target(%arg8 : memref<200x128xf32, #tpu.memory_space<vmem>>) offsets(%dma_start3A_146 : memref<200xi32, #tpu.memory_space<vmem>>) semaphore(%arg12 : memref<!tpu.dma_semaphore, #tpu.memory_space<semaphore_mem>>)
      } else {
      }
      %mul3A_114 = arith.constant 4 : i32
      %mul3A_115 = arith.muli %scan3A_27, %mul3A_114 : i32
      %add3A_116 = arith.constant 3 : i32
      %add3A_117 = arith.addi %mul3A_115, %add3A_116 : i32
      %dma_wait3A_118 = arith.constant 0 : i32
      %dma_wait3A_119 = arith.constant 0 : i32
      %dma_wait3A_120 = tpu.memref_slice %arg4[%dma_wait3A_118, %dma_wait3A_119] : memref<819200x128xf32, #tpu.memory_space<hbm>> -> memref<200x128xf32, #tpu.memory_space<hbm>>
      %dma_wait3A_121 = arith.constant 0 : i32
      %dma_wait3A_122 = arith.constant 0 : i32
      %dma_wait3A_123 = tpu.memref_slice %arg4[%dma_wait3A_121, %dma_wait3A_122] : memref<819200x128xf32, #tpu.memory_space<hbm>> -> memref<200x128xf32, #tpu.memory_space<hbm>>
      tpu.wait_dma2 semaphore(%arg13 : memref<!tpu.dma_semaphore, #tpu.memory_space<semaphore_mem>>) src(%arg9 : memref<200x128xf32, #tpu.memory_space<vmem>>) dst(%dma_wait3A_123 : memref<200x128xf32, #tpu.memory_space<hbm>>)
      %mul3A_124 = arith.constant 200 : i32
      %mul3A_125 = arith.muli %add3A_117, %mul3A_124 : i32
      %add3A_126 = arith.addi %mul3A_2, %mul3A_125 : i32
      %dma_start3A_127 = arith.constant 0 : i32
      %dma_start3A_128 = tpu.memref_slice %arg4[%add3A_126, %dma_start3A_127] : memref<819200x128xf32, #tpu.memory_space<hbm>> -> memref<200x128xf32, #tpu.memory_space<hbm>>
      %dma_start3A_129 = arith.constant 0 : i32
      %dma_start3A_130 = tpu.memref_slice %arg4[%add3A_126, %dma_start3A_129] : memref<819200x128xf32, #tpu.memory_space<hbm>> -> memref<200x128xf32, #tpu.memory_space<hbm>>
      tpu.enqueue_dma source(%arg9 : memref<200x128xf32, #tpu.memory_space<vmem>>) target(%dma_start3A_130 : memref<200x128xf32, #tpu.memory_space<hbm>>) target_semaphore(%arg17 : memref<!tpu.dma_semaphore, #tpu.memory_space<semaphore_mem>>)
      %dma_wait3A_131 = arith.constant 0 : i32
      %dma_wait3A_132 = arith.constant 0 : i32
      %dma_wait3A_133 = tpu.memref_slice %arg4[%dma_wait3A_131, %dma_wait3A_132] : memref<819200x128xf32, #tpu.memory_space<hbm>> -> memref<200x128xf32, #tpu.memory_space<hbm>>
      %dma_wait3A_134 = arith.constant 0 : i32
      %dma_wait3A_135 = arith.constant 0 : i32
      %dma_wait3A_136 = tpu.memref_slice %arg4[%dma_wait3A_134, %dma_wait3A_135] : memref<819200x128xf32, #tpu.memory_space<hbm>> -> memref<200x128xf32, #tpu.memory_space<hbm>>
      tpu.wait_dma2 semaphore(%arg17 : memref<!tpu.dma_semaphore, #tpu.memory_space<semaphore_mem>>) src(%arg9 : memref<200x128xf32, #tpu.memory_space<vmem>>) dst(%dma_wait3A_136 : memref<200x128xf32, #tpu.memory_space<hbm>>)
      %add3A_137 = arith.constant 4 : i32
      %add3A_138 = arith.addi %add3A_117, %add3A_137 : i32
      %lt3A_139 = arith.constant 128 : i32
      %lt3A_140 = arith.cmpi slt, %add3A_138, %lt3A_139 : i32
      %convert_element_type3A_141 = arith.extui %lt3A_140 : i1 to i32
      %cond3A_142 = arith.constant 0 : i32
      %cond3A_143 = arith.cmpi ne, %convert_element_type3A_141, %cond3A_142 : i32
      scf.if %cond3A_143 {
        %mul3A_144 = arith.constant 200 : i32
        %mul3A_145 = arith.muli %add3A_138, %mul3A_144 : i32
        %dma_start3A_146 = tpu.memref_slice %arg5[%mul3A_145] : memref<25600xi32, #tpu.memory_space<vmem>> -> memref<200xi32, #tpu.memory_space<vmem>>
        %dma_start3A_147 = arith.constant 0 : i32
        %dma_start3A_148 = arith.constant 0 : i32
        %dma_start3A_149 = tpu.memref_slice %arg3[%dma_start3A_147, %dma_start3A_148] : memref<100000x128xf32, #tpu.memory_space<hbm>> -> memref<100000x128xf32, #tpu.memory_space<hbm>>
        tpu.enqueue_indirect_dma source(%dma_start3A_149 : memref<100000x128xf32, #tpu.memory_space<hbm>>) target(%arg9 : memref<200x128xf32, #tpu.memory_space<vmem>>) offsets(%dma_start3A_146 : memref<200xi32, #tpu.memory_space<vmem>>) semaphore(%arg13 : memref<!tpu.dma_semaphore, #tpu.memory_space<semaphore_mem>>)
      } else {
      }
    }
    %scan3A_26 = arith.constant 32 : i32
    return
  }
}

</mosaic_0001>

<sc_bundles>
// kernel: kernel.3.cloned.1.call-start
scs
__scs_entry_jumppad:
0x0: {  	(pc) =	sbr.rel $0x88, $3  }
0x1: {  	(tag) =	ssettag $0x0;
	lr =	simm.s32 $0x1  }
0x2: {  	[smem:$0x3F9F] =	sst lr;
	_ =	strace $0xD0000000  }
0x3: {  	_ = 	snop  }
0x4: {  	_ = 	snop  }
0x5: {  	_ = 	snop  }
0x6: {  	_ = 	snop  }
0x7: {  	_ = 	snop  }
__scs_overlays_trampoline_lowered:
0x8: {  	[smem:$0x3FAE] =	sst s0  }
0x9: {  	[smem:$0x3FAF] =	sst s1  }
0xa: {  	[smem:$0x3FB0] =	sst s2  }
0xb: {  	[smem:$0x3FB1] =	sst s3  }
0xc: {  	[smem:$0x3FB2] =	sst s4  }
0xd: {  	[smem:$0x3FB3] =	sst s5  }
0xe: {  	[smem:$0x3FB4] =	sst s6  }
0xf: {  	[smem:$0x3FB5] =	sst s7  }
0x10: {  	[smem:$0x3FB6] =	sst s8  }
0x11: {  	[smem:$0x3FB7] =	sst s9;
	s0 =	simm.s32 @!p0 $0x0  }
0x12: {  	s1 =	sld [smem:$0x3F9D];
	s0 =	simm.s32 @p0 $0x1  }
0x13: {  	[smem:$0x3FB8] =	sst s0;
	s0 =	simm.s32 @!p1 $0x0  }
0x14: {  	s2 =	sld [smem:$0x3F9C];
	s0 =	simm.s32 @p1 $0x1  }
0x15: {  	[smem:$0x3FB9] =	sst s0;
	s0 =	simm.s32 @!p2 $0x0  }
0x16: {  	s3 =	sld [smem:$0x3FDB];
	s0 =	simm.s32 @p2 $0x1  }
0x17: {  	s4 =	simm.s32 $0x1BF5;
	[smem:$0x3FBB] =	sst s0  }
0x18: {  	s0 =	sld [smem:$0x3F9E];
	_ =	swait.ge [sflag:s4], $0x0  }
0x19: {  	s7 =	sld [smem:$0x3F9F]  }
0x1a: {  	s8 =	sadd.s32 $0xFFFFE003, lr  }
0x1b: {  	s9 =	sadd.s32 $0xFFFFFEF7, lr;
	s5 =	simm.s32 $0xFFFFFFFF;
	p2 =	slt.u32 s8, $0xFFFFF086  }
0x1c: {  	p1 =	slt.u32 s9, $0xF7A;
	s5 =	simm.s32 @!p2 $0x0  }
0x1d: {  	s5 =	simm.s32 @p1 $0x1;
	p0 =	seq.s32 s7, s2  }
0x1e: {  	s7 =	smul.u32 @!p0 $0xF7A, s2;
	p2 =	seq.s32 @!p0 s5, $0x0  }
0x1f: {  	s9 =	smul.u32 $0xF7A, s1;
	s8 =	simm.s32 @!p0 $0x1BF5;
	p2 =	por !p2, p0  }
0x20: {  	[sflag:s8] =	ssyncset.s32 @!p0 $0xFFFFF086;
	s6 =	sadd.s32 @!p0 s3, s7;
	s7 =	simm.s32 @!p0 $0x108  }
0x21: {  	s3 =	sadd.s32 s3, s9;
	s6 =	sadd.s32 @!p0 $0x88, s6;
	s7 =	simm.s32 @p2 $0x1082  }
0x22: {  	[simem:s7], [sflag:s8] =	dma.local @!p0 [hbm:s6], $0xF7A  }
0x23: {  	s9 =	sor.u32 $0xD0000000, s2;
	s6 =	simm.s32 $0x108;
	_ =	swait.ge @!p0 [sflag:s8], $0x0  }
0x24: {  	s3 =	sadd.s32 $0x88, s3;
	s6 =	simm.s32 @!p1 $0x1082;
	[sflag:s4] =	ssyncset.s32 $0xFFFFF086  }
0x25: {  	[simem:s6], [sflag:s4] =	dma.local [hbm:s3], $0xF7A  }
0x26: {  	[smem:$0x3F9F] =	sst s1;
	(tag) =	ssettag s2;
	_ =	strace s9  }
0x27: {  	s1 =	sld [smem:$0x3FAF]  }
0x28: {  	s2 =	sld [smem:$0x3FB0]  }
0x29: {  	s4 =	sld [smem:$0x3FB2]  }
0x2a: {  	p0 =	seq.s32 s5, $0x0;
	s5 =	sld [smem:$0x3FB3]  }
0x2b: {  	s6 =	sld [smem:$0x3FB4]  }
0x2c: {  	s7 =	sld [smem:$0x3FB5]  }
0x2d: {  	s3 =	simm.s32 $0x108;
	s8 =	sld [smem:$0x3FB6]  }
0x2e: {  	s3 =	simm.s32 @!p0 $0x1082;
	s9 =	sld [smem:$0x3FB7]  }
0x2f: {  	lr =	sadd.s32 s0, s3;
	s0 =	sld [smem:$0x3FAE]  }
0x30: {  	s3 =	sld [smem:$0x3FB1]  }
0x31: {  	[smem:$0x3FBA] =	sst s10  }
0x32: {  	s10 =	sld [smem:$0x3FB8];
	_ =	sdelay $0x3  }
0x33: {  	p0 =	seq.s32 s10, $0x1;
	s10 =	sld [smem:$0x3FBA];
	_ =	sdelay $0x3  }
0x34: {  	[smem:$0x3FBA] =	sst s10  }
0x35: {  	s10 =	sld [smem:$0x3FB9];
	_ =	sdelay $0x3  }
0x36: {  	p1 =	seq.s32 s10, $0x1;
	s10 =	sld [smem:$0x3FBA];
	_ =	sdelay $0x3  }
0x37: {  	[smem:$0x3FBA] =	sst s10  }
0x38: {  	s10 =	sld [smem:$0x3FBB]  }
0x39: {  	_ = 	snop;
	(pc) =	sbr.ind lr, $3  }
0x3a: {  	_ = 	snop  }
0x3b: {  	_ = 	snop  }
0x3c: {  	p2 =	seq.s32 s10, $0x1;
	s10 =	sld [smem:$0x3FBA]  }
0x3d: {  	_ =	shalt  }
0x3e: {  	_ =	shalt  }
0x3f: {  	_ =	shalt  }
0x40: {  	_ =	shalt  }
0x41: {  	_ =	shalt  }
0x42: {  	_ =	shalt  }
0x43: {  	_ =	shalt  }
0x44: {  	_ =	shalt  }
0x45: {  	_ =	shalt  }
0x46: {  	_ =	shalt  }
0x47: {  	_ =	shalt  }
0x48: {  	_ =	shalt  }
0x49: {  	_ =	shalt  }
0x4a: {  	_ =	shalt  }
0x4b: {  	_ =	shalt  }
0x4c: {  	_ =	shalt  }
0x4d: {  	_ =	shalt  }
0x4e: {  	_ =	shalt  }
0x4f: {  	_ =	shalt  }
0x50: {  	_ =	shalt  }
0x51: {  	_ =	shalt  }
0x52: {  	_ =	shalt  }
0x53: {  	_ =	shalt  }
0x54: {  	_ =	shalt  }
0x55: {  	_ =	shalt  }
0x56: {  	_ =	shalt  }
0x57: {  	_ =	shalt  }
0x58: {  	_ =	shalt  }
0x59: {  	_ =	shalt  }
0x5a: {  	_ =	shalt  }
0x5b: {  	_ =	shalt  }
0x5c: {  	_ =	shalt  }
0x5d: {  	_ =	shalt  }
0x5e: {  	_ =	shalt  }
0x5f: {  	_ =	shalt  }
0x60: {  	_ =	shalt  }
0x61: {  	_ =	shalt  }
0x62: {  	_ =	shalt  }
0x63: {  	_ =	shalt  }
0x64: {  	_ =	shalt  }
0x65: {  	_ =	shalt  }
0x66: {  	_ =	shalt  }
0x67: {  	_ =	shalt  }
0x68: {  	_ =	shalt  }
0x69: {  	_ =	shalt  }
0x6a: {  	_ =	shalt  }
0x6b: {  	_ =	shalt  }
0x6c: {  	_ =	shalt  }
0x6d: {  	_ =	shalt  }
0x6e: {  	_ =	shalt  }
0x6f: {  	_ =	shalt  }
0x70: {  	_ =	shalt  }
0x71: {  	_ =	shalt  }
0x72: {  	_ =	shalt  }
0x73: {  	_ =	shalt  }
0x74: {  	_ =	shalt  }
0x75: {  	_ =	shalt  }
0x76: {  	_ =	shalt  }
0x77: {  	_ =	shalt  }
0x78: {  	_ =	shalt  }
0x79: {  	_ =	shalt  }
0x7a: {  	_ =	shalt  }
0x7b: {  	_ =	shalt  }
0x7c: {  	_ =	shalt  }
0x7d: {  	_ =	shalt  }
0x7e: {  	_ =	shalt  }
0x7f: {  	_ =	shalt  }
0x80: {  	_ =	shalt  }
0x81: {  	_ =	shalt  }
0x82: {  	_ =	shalt  }
0x83: {  	_ =	shalt  }
0x84: {  	_ =	shalt  }
0x85: {  	_ =	shalt  }
0x86: {  	_ =	shalt  }
0x87: {  	_ =	shalt  }
.Lfunc_end0:
.L_simem_size_0:
called_computation_lowered:
.L_overlay_start_0:
0x88: {  	s2 =	sld [smem:$0x3FD9]  }
0x89: {  	s3 =	sld [smem:$0x3FFE];
	_ =	sdelay $0x1  }
0x8a: {  	s1 =	srdreg.scid  }
0x8b: {  	s0 =	sand.u32 $0x1, s1  }
0x8c: {  	s17 =	sshll.u32 s0, $0xA;
	s2 =	sadd.s32 s3, s2  }
0x8d: {  	s2 =	sadd.s32 s2, s17  }
0x8e: {  	[smem:$0x3FC6] =	sst s2  }
0x8f: {  	_ = 	snop  }
0x90: {  	s2 =	sld [smem:$0x3FC8]  }
0x91: {  	s18 =	sld [smem:$0x3FD0];
	(tm) =	ssettm $0x1  }
0x92: {  	s4 =	sld [smem:$0x3FFB];
	_ =	sdelay $0x3  }
0x93: {  	_ =	strace s4  }
0x94: {  	s4 =	sld [smem:$0x3FFC];
	_ =	sdelay $0x3  }
0x95: {  	_ =	strace s4  }
0x96: {  	s4 =	sld [smem:$0x3FFD];
	_ =	sdelay $0x3  }
0x97: {  	_ =	strace s4  }
0x98: {  	_ =	strace $0x8FFFFFFF  }
0x99: {  	s19 =	sld [smem:$0x3FDB];
	_ =	sdelay $0x1  }
0x9a: {  	s5 =	simm.s32 $_scs_section_size  }
0x9b: {  	s6 =	simm.s32 $_size__tile_overlayer_lowered;
	s7 =	simm.s32 $_tile_overlayer_lowered  }
0x9c: {  	s22 =	simm.s32 $0x1BFF;
	s21 =	sshll.u32 s7, $0x1;
	s4 =	sadd.s32 s5, s19  }
0x9d: {  	s8 =	simm.s32 $0x0;
	s20 =	sshll.u32 s6, $0x1;
	s6 =	sadd.s32 s21, s4  }
0x9e: {  	[timem:s8], [sflag:s22] =	dma.local [hbm:s6], s20  }
0x9f: {  	_ =	swait.ge [sflag:s22], s20  }
0xa0: {  	s5 =	ssub.s32 $0x0, s20;
	[sflag:s22] =	ssyncset.done $0x0  }
0xa1: {  	[sflag:s22] =	ssyncadd.s32 s5;
	_ =	sdelay $0x1  }
0xa2: {  	s23 =	simm.s32 $0x1B8B  }
0xa3: {  	_ =	swait.ge [sflag:s23], $0x1  }
0xa4: {  	[sflag:s23] =	ssyncset.done $0x0  }
0xa5: {  	s25 =	simm.s32 $0x1B8E;
	s24 =	sld [smem:$0x3FFE];
	[sflag:s23] =	ssyncadd.s32 $0xFFFFFFFF  }
0xa6: {  	s26 =	simm.s32 $execute0_lowered;
	[smem:$0x3FD2] =	sst s25  }
0xa7: {  	s6 =	sshll.u32 s26, $0x1;
	_ =	strace $0x80000046;
	[dreg:$0x1] =	wrdreg $0xFFFFFFFF  }
0xa8: {  	s28 =	simm.s32 $_size_execute0_lowered;
	s4 =	sadd.s32 s4, s6;
	[dreg:$0x0] =	wrdreg $0x0  }
0xa9: {  	s6 =	sshll.u32 s28, $0x1;
	[dreg:$0x2] =	wrdreg s4  }
0xaa: {  	[dreg:$0x3] =	wrdreg s6  }
0xab: {  	[dreg:$0x4] =	wrdreg $0xC0  }
0xac: {  	_ =	task [dreg:s8], $0x5FFFF  }
0xad: {  	[dreg:$0x1] =	wrdreg $0xFFFFFFFF  }
0xae: {  	[dreg:$0x0] =	wrdreg $0x60  }
0xaf: {  	[dreg:$0x2] =	wrdreg s24  }
0xb0: {  	[dreg:$0x3] =	wrdreg s2  }
0xb1: {  	[dreg:$0x4] =	wrdreg s18  }
0xb2: {  	[dreg:$0x5] =	wrdreg $0x9  }
0xb3: {  	_ =	task.clear_ibuf [dreg:s8], $0x6FFFF;
	_ =	strace $0x90000046  }
0xb4: {  	s29 =	simm.s32 $0x9;
	_ =	strace $0x80000048  }
0xb5: {  	_ =	swait.ge [sflag:s29], $0x1  }
0xb6: {  	[sflag:s29] =	ssyncadd.s32 $0xFFFFFFFF  }
0xb7: {  	_ =	strace $0x90000048  }
0xb8: {  	_ =	sfence  }
0xb9: {  	s30 =	sld [smem:$0x0];
	_ =	sdelay $0x2  }
0xba: {  	s31 =	sshll.u32 s1, $0xD;
	s1 =	sshrl.u32 s1, $0x2  }
0xbb: {  	s3 =	sand.u32 $0x4000, s31;
	s1 =	sadd.s32 s1, s30  }
0xbc: {  	s0 =	sor.u32 s3, s0;
	s1 =	sshll.u32 s1, $0x11  }
0xbd: {  	s0 =	sor.u32 s1, s0  }
0xbe: {  	s0 =	sadd.s32 $0x8F2B, s0  }
0xbf: {  	[sflag:s0] =	ssyncadd.remote.s32 $0x1  }
0xc0: {  	_ =	sfence.sel $0xFFFF  }
0xc1: {  	[dreg:$0x0] =	wrdreg $0xFFFFFFFF;
	(pc) =	sbr.abs _section_cstart, $3  }
0xc2: {  	[dreg:$0x1] =	wrdreg $0xFFFFFFFF  }
0xc3: {  	_ =	task.clear_ibuf [dreg:s8], $0x2FFFF;
	_ =	strace $0x9FFFFFFF  }
0xc4: {  	(tm) =	ssettm $0x7FFFFFFF  }
0xc5: {  	_ =	shalt  }
tec
execute0_lowered:
.L_overlay_start_1:
0x0: {  	(tag) =	ssettag $0x1  }
0x1: {  	s1 =	srdreg.scid;
	s4 =	rddreg [dreg:$0x0]  }
0x2: {  	s0 =	stileid.u32;
	s2 =	rddreg [dreg:$0x1]  }
0x3: {  	s10 =	rddreg [dreg:$0x2];
	s3 =	simm.s32 $0x0;
	s13 =	simm.s32 $0x6400  }
0x4: {  	s14 =	simm.s32 $0xC800;
	s15 =	simm.s32 $0x190;
	s16 =	simm.s32 $0x12C00  }
0x5: {  	s17 =	simm.s32 $0x258;
	s18 =	simm.s32 $0x19000;
	s19 =	simm.s32 $0x1  }
0x6: {  	s20 =	simm.s32 $0x5;
	s21 =	simm.s32 $0x2;
	s22 =	simm.s32 $0x6  }
0x7: {  	s23 =	simm.s32 $0x3;
	s24 =	simm.s32 $0x7;
	s25 =	simm.s32 $0x4  }
0x8: {  	s26 =	simm.s32 $0x8;
	s8 =	sand.u32 $0x1, s1;
	s29 =	sshll.u32 s0, $0x1  }
0x9: {  	s28 =	simm.s32 $0x0;
	s11 =	smul.u32 $0xC8000, s0;
	s5 =	sor.u32 s8, s29  }
0xa: {  	[smem:$0x7FF] =	sst s3;
	s7 =	ssub.s32 $0x2, s8;
	s6 =	smul.u32 $0x6400, s5  }
0xb: {  	_ =	strace $0x80000047;
	s30 =	sshrl.u32 s7, $0x1;
	s9 =	smul.u32 $0x64000, s5  }
0xc: {  	s12 =	smul.u32 $0x64000, s8;
	s31 =	ssub.s32 s7, s30;
	s6 =	sshrl.u32 s6, $0x3  }
0xd: {  	s5 =	smax.u32 s31, $0x1;
	s9 =	sadd.s32 s10, s9;
	s10 =	sadd.s32 s11, s10  }
0xe: {  	s11 =	simm.s32 $0x9;
	s4 =	sadd.s32 s6, s4;
	s6 =	sadd.s32 $0x60E00, s9  }
0xf: {  	s7 =	sadd.s32 $0x61A80, s9;
	s8 =	sadd.s32 $0x62700, s9;
	s9 =	sadd.s32 $0x63380, s9  }
0x10: {  	s10 =	sadd.s32 s12, s10;
	s12 =	simm.s32 $0xC8;
	s4 =	sadd.s32 $0x400, s4  }
.LBB2_1:
0x11: {  	[tilespmem:s3], [sflag:$0x9] =	stream.linear.gather [hbm4b:s4+s3], $0x6400, $0x38;
	[tilespmem:$0x1F400] =	vst v63  }
0x12: {  	_ =	swait.ge [sflag:s11], $0x6400  }
0x13: {  	[sflag:s11] =	ssyncset.done $0x0  }
0x14: {  	[sflag:s11] =	ssyncadd.s32 $0xFFFF9C00  }
0x15: {  	[tilespmem:s13], [sflag:$0x1] =	stream.indirect.gather [hbm4b:s2+s12], $0x80, s3, s12, $0xb8;
	[tilespmem:$0x1F400] =	vst v63  }
0x16: {  	_ = 	snop  }
0x17: {  	[tilespmem:s14], [sflag:$0x2] =	stream.indirect.gather [hbm4b:s2+s12], $0x80, s12, s12, $0xb8;
	[tilespmem:$0x1F400] =	vst v63  }
0x18: {  	_ = 	snop  }
0x19: {  	[tilespmem:s16], [sflag:$0x3] =	stream.indirect.gather [hbm4b:s2+s12], $0x80, s15, s12, $0xb8;
	[tilespmem:$0x1F400] =	vst v63  }
0x1a: {  	_ = 	snop  }
0x1b: {  	[tilespmem:s18], [sflag:$0x4] =	stream.indirect.gather [hbm4b:s2+s12], $0x80, s17, s12, $0xb8;
	[tilespmem:$0x1F400] =	vst v63  }
0x1c: {  	_ =	swait.ge [sflag:s19], $0x6400  }
0x1d: {  	[sflag:s19] =	ssyncset.done $0x0  }
0x1e: {  	s29 =	sadd.s32 $0x0, s10;
	[sflag:s19] =	ssyncadd.s32 $0xFFFF9C00  }
0x1f: {  	[hbm4b:s29+s3] =	stream.linear.scatter [tilespmem:s13], [sflag:$0x5], $0x6400, $0x38;
	[tilespmem:$0x1F400] =	vst v63  }
0x20: {  	_ =	swait.ge [sflag:s20], $0x6400  }
0x21: {  	[sflag:s20] =	ssyncset.done $0x0  }
0x22: {  	s30 =	simm.s32 $0x320;
	[sflag:s20] =	ssyncadd.s32 $0xFFFF9C00  }
0x23: {  	[tilespmem:s13], [sflag:$0x1] =	stream.indirect.gather [hbm4b:s2+s12], $0x80, s30, s12, $0xb8;
	[tilespmem:$0x1F400] =	vst v63  }
0x24: {  	_ =	swait.ge [sflag:s21], $0x6400  }
0x25: {  	[sflag:s21] =	ssyncset.done $0x0  }
0x26: {  	s30 =	sadd.s32 $0xC80, s29;
	[sflag:s21] =	ssyncadd.s32 $0xFFFF9C00  }
0x27: {  	[hbm4b:s30+s3] =	stream.linear.scatter [tilespmem:s14], [sflag:$0x6], $0x6400, $0x38;
	[tilespmem:$0x1F400] =	vst v63  }
0x28: {  	_ =	swait.ge [sflag:s22], $0x6400  }
0x29: {  	[sflag:s22] =	ssyncset.done $0x0  }
0x2a: {  	s30 =	simm.s32 $0x3E8;
	[sflag:s22] =	ssyncadd.s32 $0xFFFF9C00  }
0x2b: {  	[tilespmem:s14], [sflag:$0x2] =	stream.indirect.gather [hbm4b:s2+s12], $0x80, s30, s12, $0xb8;
	[tilespmem:$0x1F400] =	vst v63  }
0x2c: {  	_ =	swait.ge [sflag:s23], $0x6400  }
0x2d: {  	[sflag:s23] =	ssyncset.done $0x0  }
0x2e: {  	s30 =	sadd.s32 $0x1900, s29;
	[sflag:s23] =	ssyncadd.s32 $0xFFFF9C00  }
0x2f: {  	[hbm4b:s30+s3] =	stream.linear.scatter [tilespmem:s16], [sflag:$0x7], $0x6400, $0x38;
	[tilespmem:$0x1F400] =	vst v63  }
0x30: {  	_ =	swait.ge [sflag:s24], $0x6400  }
0x31: {  	[sflag:s24] =	ssyncset.done $0x0  }
0x32: {  	s30 =	simm.s32 $0x4B0;
	[sflag:s24] =	ssyncadd.s32 $0xFFFF9C00  }
0x33: {  	[tilespmem:s16], [sflag:$0x3] =	stream.indirect.gather [hbm4b:s2+s12], $0x80, s30, s12, $0xb8;
	[tilespmem:$0x1F400] =	vst v63  }
0x34: {  	_ =	swait.ge [sflag:s25], $0x6400  }
0x35: {  	[sflag:s25] =	ssyncset.done $0x0  }
0x36: {  	s29 =	sadd.s32 $0x2580, s29;
	[sflag:s25] =	ssyncadd.s32 $0xFFFF9C00  }
0x37: {  	[hbm4b:s29+s3] =	stream.linear.scatter [tilespmem:s18], [sflag:$0x8], $0x6400, $0x38;
	[tilespmem:$0x1F400] =	vst v63  }
0x38: {  	_ =	swait.ge [sflag:s26], $0x6400  }
0x39: {  	s31 =	simm.s32 $0x898;
	[sflag:s26] =	ssyncset.done $0x0  }
0x3a: {  	s30 =	simm.s32 $0x3200;
	s29 =	simm.s32 $0x578;
	[sflag:s26] =	ssyncadd.s32 $0xFFFF9C00  }
.LBB2_2:
0x3b: {  	[tilespmem:s18], [sflag:$0x4] =	stream.indirect.gather [hbm4b:s2+s12], $0x80, s29, s12, $0xb8;
	[tilespmem:$0x1F400] =	vst v63  }
0x3c: {  	s1 =	smov.u32 s30;
	s29 =	smov.u32 s31  }
0x3d: {  	p0 =	sne.s32 s30, $0x5DC00;
	s30 =	sadd.s32 $0x3200, s30;
	_ =	swait.ge [sflag:s19], $0x6400  }
0x3e: {  	[sflag:s19] =	ssyncset.done $0x0  }
0x3f: {  	s1 =	sadd.s32 s1, s10;
	[sflag:s19] =	ssyncadd.s32 $0xFFFF9C00  }
0x40: {  	[hbm4b:s1+s3] =	stream.linear.scatter [tilespmem:s13], [sflag:$0x5], $0x6400, $0x38;
	[tilespmem:$0x1F400] =	vst v63  }
0x41: {  	_ =	swait.ge [sflag:s20], $0x6400  }
0x42: {  	[sflag:s20] =	ssyncset.done $0x0  }
0x43: {  	s0 =	sadd.s32 $0xFFFFFDA8, s31;
	[sflag:s20] =	ssyncadd.s32 $0xFFFF9C00  }
0x44: {  	[tilespmem:s13], [sflag:$0x1] =	stream.indirect.gather [hbm4b:s2+s12], $0x80, s0, s12, $0xb8;
	[tilespmem:$0x1F400] =	vst v63  }
0x45: {  	_ =	swait.ge [sflag:s21], $0x6400  }
0x46: {  	[sflag:s21] =	ssyncset.done $0x0  }
0x47: {  	s0 =	sadd.s32 $0xC80, s1;
	[sflag:s21] =	ssyncadd.s32 $0xFFFF9C00  }
0x48: {  	[hbm4b:s0+s3] =	stream.linear.scatter [tilespmem:s14], [sflag:$0x6], $0x6400, $0x38;
	[tilespmem:$0x1F400] =	vst v63  }
0x49: {  	_ =	swait.ge [sflag:s22], $0x6400  }
0x4a: {  	[sflag:s22] =	ssyncset.done $0x0  }
0x4b: {  	s0 =	sadd.s32 $0xFFFFFE70, s31;
	[sflag:s22] =	ssyncadd.s32 $0xFFFF9C00  }
0x4c: {  	[tilespmem:s14], [sflag:$0x2] =	stream.indirect.gather [hbm4b:s2+s12], $0x80, s0, s12, $0xb8;
	[tilespmem:$0x1F400] =	vst v63  }
0x4d: {  	_ =	swait.ge [sflag:s23], $0x6400  }
0x4e: {  	[sflag:s23] =	ssyncset.done $0x0  }
0x4f: {  	s0 =	sadd.s32 $0x1900, s1;
	[sflag:s23] =	ssyncadd.s32 $0xFFFF9C00  }
0x50: {  	[hbm4b:s0+s3] =	stream.linear.scatter [tilespmem:s16], [sflag:$0x7], $0x6400, $0x38;
	[tilespmem:$0x1F400] =	vst v63  }
0x51: {  	_ =	swait.ge [sflag:s24], $0x6400  }
0x52: {  	[sflag:s24] =	ssyncset.done $0x0  }
0x53: {  	s0 =	sadd.s32 $0xFFFFFF38, s31;
	[sflag:s24] =	ssyncadd.s32 $0xFFFF9C00  }
0x54: {  	[tilespmem:s16], [sflag:$0x3] =	stream.indirect.gather [hbm4b:s2+s12], $0x80, s0, s12, $0xb8;
	[tilespmem:$0x1F400] =	vst v63  }
0x55: {  	_ =	swait.ge [sflag:s25], $0x6400  }
0x56: {  	[sflag:s25] =	ssyncset.done $0x0  }
.Ltmp0:
0x57: {  	s0 =	sadd.s32 $0x2580, s1;
	[sflag:s25] =	ssyncadd.s32 $0xFFFF9C00;
	(pc) =	sbr.rel @p0 .LBB2_2-.Ltmp0, $4  }
0x58: {  	[hbm4b:s0+s3] =	stream.linear.scatter [tilespmem:s18], [sflag:$0x8], $0x6400, $0x38;
	[tilespmem:$0x1F400] =	vst v63  }
0x59: {  	_ =	swait.ge [sflag:s26], $0x6400  }
0x5a: {  	[sflag:s26] =	ssyncset.done $0x0  }
0x5b: {  	s31 =	sadd.s32 $0x320, s31;
	[sflag:s26] =	ssyncadd.s32 $0xFFFF9C00  }
0x5c: {  	[tilespmem:s18], [sflag:$0x4] =	stream.indirect.gather [hbm4b:s2+s12], $0x80, s29, s12, $0xb8;
	[tilespmem:$0x1F400] =	vst v63  }
0x5d: {  	_ =	swait.ge [sflag:s19], $0x6400  }
0x5e: {  	[sflag:s19] =	ssyncset.done $0x0  }
0x5f: {  	[sflag:s19] =	ssyncadd.s32 $0xFFFF9C00  }
0x60: {  	[hbm4b:s6+s3] =	stream.linear.scatter [tilespmem:s13], [sflag:$0x5], $0x6400, $0x38;
	[tilespmem:$0x1F400] =	vst v63  }
0x61: {  	_ =	swait.ge [sflag:s20], $0x6400  }
0x62: {  	[sflag:s20] =	ssyncset.done $0x0  }
0x63: {  	[sflag:s20] =	ssyncadd.s32 $0xFFFF9C00  }
0x64: {  	_ =	swait.ge [sflag:s21], $0x6400  }
0x65: {  	[sflag:s21] =	ssyncset.done $0x0  }
0x66: {  	[sflag:s21] =	ssyncadd.s32 $0xFFFF9C00  }
0x67: {  	[hbm4b:s7+s3] =	stream.linear.scatter [tilespmem:s14], [sflag:$0x6], $0x6400, $0x38;
	[tilespmem:$0x1F400] =	vst v63  }
0x68: {  	_ =	swait.ge [sflag:s22], $0x6400  }
0x69: {  	[sflag:s22] =	ssyncset.done $0x0  }
0x6a: {  	[sflag:s22] =	ssyncadd.s32 $0xFFFF9C00  }
0x6b: {  	_ =	swait.ge [sflag:s23], $0x6400  }
0x6c: {  	[sflag:s23] =	ssyncset.done $0x0  }
0x6d: {  	[sflag:s23] =	ssyncadd.s32 $0xFFFF9C00  }
0x6e: {  	[hbm4b:s8+s3] =	stream.linear.scatter [tilespmem:s16], [sflag:$0x7], $0x6400, $0x38;
	[tilespmem:$0x1F400] =	vst v63  }
0x6f: {  	_ =	swait.ge [sflag:s24], $0x6400  }
0x70: {  	[sflag:s24] =	ssyncset.done $0x0  }
0x71: {  	[sflag:s24] =	ssyncadd.s32 $0xFFFF9C00  }
0x72: {  	s28 =	sadd.s32 $0x1, s28;
	_ =	swait.ge [sflag:s25], $0x6400  }
0x73: {  	p0 =	sne.s32 s28, s5;
	[sflag:s25] =	ssyncset.done $0x0  }
.Ltmp1:
0x74: {  	[sflag:s25] =	ssyncadd.s32 $0xFFFF9C00;
	(pc) =	sbr.rel @p0 .LBB2_1-.Ltmp1, $4  }
0x75: {  	[hbm4b:s9+s3] =	stream.linear.scatter [tilespmem:s18], [sflag:$0x8], $0x6400, $0x38;
	[tilespmem:$0x1F400] =	vst v63  }
0x76: {  	_ =	swait.ge [sflag:s26], $0x6400  }
0x77: {  	[sflag:s26] =	ssyncset.done $0x0  }
0x78: {  	[sflag:s26] =	ssyncadd.s32 $0xFFFF9C00  }
0x79: {  	_ =	sfence.sel $0x180000  }
0x7a: {  	[bflag:$0x0] =	sbarrier.arrive $0xFFFF  }
0x7b: {  	_ =	strace $0x90000047  }
0x7c: {  	s0 =	stileid.u32;
	[bflag:$0x2] =	sbarrier.arrive $0xFFFF  }
0x7d: {  	p0 =	sne.s32 s0, $0x0;
	s0 =	rddreg [dreg:$0x3]  }
0x7e: {  	s0 =	sadd.s32 @!p0 $0x100000, s0  }
0x7f: {  	[sflag:s0] =	ssyncadd.tile.s32 @!p0 $0x1;
	_ =	shalt  }
.Lfunc_end2:
_tile_overlayer_lowered:
.L_overlay_start_2:
0x80: {  	(tag) =	ssettag $0x2  }
0x81: {  	s0 =	rddreg [dreg:$0x0];
	s2 =	stileid.u32  }
0x82: {  	s1 =	rddreg [dreg:$0x1];
	p0 =	sne.s32 s2, $0x0  }
0x83: {  	s3 =	rddreg [dreg:$0x2];
	[bflag:$0x3] =	sbarrier.arrive $0xFFFF;
	s2 =	simm.s32 @!p0 $0x1C09  }
0x84: {  	[timem:s3], [sflag:s2] =	dma.local @!p0 [hbm:s0], s1  }
0x85: {  	s0 =	simm.s32 @!p0 $0x9  }
0x86: {  	_ =	swait.ge @!p0 [sflag:s0], s1  }
0x87: {  	s1 =	ssub.s32 @!p0 $0x0, s1;
	[sflag:s0] =	ssyncset.done @!p0 $0x0  }
0x88: {  	[sflag:s0] =	ssyncadd.s32 @!p0 s1  }
0x89: {  	[bflag:$0x3] =	sbarrier.arrive $0xFFFF  }
0x8a: {  	_ =	shalt  }

</sc_bundles>
